<compile_context>
chip_gen: v7x
topology: tpu7x:2x2x1
jax: 0.10.2.dev20260603
libtpu: 0.0.44.dev20260713+nightly
codegen_flags: <defaults>
</compile_context>

<pallas_src>
import functools

import jax
import jax.numpy as jnp
from jax.experimental import pallas as pl
from jax.experimental.pallas import tpu as pltpu
from jax.experimental.pallas import tpu_sc as plsc

N = 5000
NPAD = 5120
B = 1280
NBLK = NPAD // B
THRESH = 0.3

SC_NC = 2
SC_NS = 16
NW = SC_NC * SC_NS
GD = 128
B_PER_W = NPAD // NW


def _sc_gather(table, idx):
    mesh = plsc.VectorSubcoreMesh(core_axis_name="c", subcore_axis_name="s")

    @functools.partial(
        pl.kernel, mesh=mesh,
        out_type=jax.ShapeDtypeStruct((NPAD, GD), jnp.float32),
        scratch_types=[
            pltpu.VMEM((B_PER_W,), jnp.int32),
            pltpu.VMEM((B_PER_W, GD), jnp.float32),
            pltpu.SemaphoreType.DMA,
        ],
    )
    def k(table_hbm, idx_hbm, out_hbm, idx_v, rows_v, sem):
        wid = jax.lax.axis_index("s") * SC_NC + jax.lax.axis_index("c")
        base = wid * B_PER_W
        pltpu.sync_copy(idx_hbm.at[pl.ds(base, B_PER_W)], idx_v)
        pltpu.async_copy(table_hbm.at[idx_v], rows_v, sem).wait()
        pltpu.sync_copy(rows_v, out_hbm.at[pl.ds(base, B_PER_W)])

    return k(table, idx)


def _nms_body(col_ref, row_ref, keep_ref):
    keep_ref[...] = jnp.ones((1, NPAD), jnp.float32)
    tri = (jax.lax.broadcasted_iota(jnp.int32, (B, B), 1)
           > jax.lax.broadcasted_iota(jnp.int32, (B, B), 0))

    def block(b, carry):
        off = b * B
        rx1 = col_ref[pl.ds(off, B), 0:1]
        ry1 = col_ref[pl.ds(off, B), 1:2]
        rx2 = col_ref[pl.ds(off, B), 2:3]
        ry2 = col_ref[pl.ds(off, B), 3:4]
        rarea = col_ref[pl.ds(off, B), 4:5]

        def iou_chunk(coff):
            cx1 = row_ref[0:1, pl.ds(coff, B)]
            cy1 = row_ref[1:2, pl.ds(coff, B)]
            cx2 = row_ref[2:3, pl.ds(coff, B)]
            cy2 = row_ref[3:4, pl.ds(coff, B)]
            carea = row_ref[4:5, pl.ds(coff, B)]
            iw = jnp.maximum(jnp.minimum(rx2, cx2) - jnp.maximum(rx1, cx1),
                             0.0)
            ih = jnp.maximum(jnp.minimum(ry2, cy2) - jnp.maximum(ry1, cy1),
                             0.0)
            inter = iw * ih
            union = rarea + carea - inter
            return inter / union

        S_bb = jnp.where((iou_chunk(off) > THRESH) & tri,
                         1.0, 0.0).astype(jnp.bfloat16)
        k_in = keep_ref[0:1, pl.ds(off, B)]

        def fcond(state):
            t, _, changed = state
            return changed & (t < B)

        def fbody(state):
            t, k, _ = state
            cnt = jax.lax.dot_general(
                k.astype(jnp.bfloat16), S_bb,
                (((1,), (0,)), ((), ())),
                preferred_element_type=jnp.float32)
            k_new = k_in * jnp.where(cnt > 0.0, 0.0, 1.0)
            return t + 1, k_new, jnp.any(k_new != k)

        _, k_fin, _ = jax.lax.while_loop(fcond, fbody,
                                         (0, k_in, jnp.bool_(True)))
        keep_ref[0:1, pl.ds(off, B)] = k_fin
        k_bf = k_fin.astype(jnp.bfloat16)

        def chunk(c, carry2):
            coff = c * B
            Sc = jnp.where(iou_chunk(coff) > THRESH,
                           1.0, 0.0).astype(jnp.bfloat16)
            sup = jax.lax.dot_general(
                k_bf, Sc, (((1,), (0,)), ((), ())),
                preferred_element_type=jnp.float32)
            keep_ref[0:1, pl.ds(coff, B)] = (
                keep_ref[0:1, pl.ds(coff, B)]
                * jnp.where(sup > 0.0, 0.0, 1.0))
            return carry2

        jax.lax.fori_loop(b + 1, NBLK, chunk, 0)
        return carry

    jax.lax.fori_loop(0, NBLK, block, 0)


def _run_nms(colmat, rowmat):
    return pl.pallas_call(
        _nms_body,
        out_shape=jax.ShapeDtypeStruct((1, NPAD), jnp.float32),
        in_specs=[
            pl.BlockSpec(memory_space=pltpu.VMEM),
            pl.BlockSpec(memory_space=pltpu.VMEM),
        ],
        out_specs=pl.BlockSpec(memory_space=pltpu.VMEM),
    )(colmat, rowmat)


def kernel(boxes, scores):
    scores = scores.astype(jnp.float32)
    boxes = boxes.astype(jnp.float32)
    scores_p = jnp.concatenate(
        [scores, jnp.full((NPAD - N,), -1.0, jnp.float32)])
    boxes_p = jnp.concatenate(
        [boxes, jnp.zeros((NPAD - N, 4), jnp.float32)], axis=0)
    area = ((boxes_p[:, 2] - boxes_p[:, 0])
            * (boxes_p[:, 3] - boxes_p[:, 1]))
    table = jnp.concatenate(
        [boxes_p, area[:, None],
         jnp.zeros((NPAD, GD - 5), jnp.float32)], axis=1)
    order = jnp.argsort(-scores_p)
    order = order.astype(jnp.int32)

    colmat = _sc_gather(table, order)
    rowmat = colmat[:, :8].T
    keep_sorted = _run_nms(colmat, rowmat)

    keep = jnp.zeros((NPAD,), jnp.float32).at[order].set(keep_sorted[0])
    return scores * keep[:N]

# --- scband reference (transcript-rebuilt; emitter-appended) ---
"""Pipeline reference for scband-point-group-83519934038505 (READ-ONLY COPY).

The authoritative reference and input builder live on the scoring server;
editing this copy changes nothing except your own understanding.
"""

import jax, jax.numpy as jnp
import numpy as np

NMS_THRESH = 0.3
N_BOXES = 5000


def setup_inputs(seed: int = 0) -> dict:
    key = jax.random.key(seed)
    k1, k2, k3 = jax.random.split(key, 3)
    centers = jax.random.uniform(k1, (N_BOXES, 2), dtype=jnp.float32) * 100.0
    wh = jax.random.uniform(k2, (N_BOXES, 2), dtype=jnp.float32) * 8.0 + 0.5
    boxes = jnp.concatenate([centers - wh / 2.0, centers + wh / 2.0], axis=1)
    scores = jax.random.uniform(k3, (N_BOXES,), dtype=jnp.float32)
    return {"boxes": boxes, "scores": scores}


@jax.jit
def _pairwise_iou(boxes):
    x1, y1, x2, y2 = boxes[:, 0], boxes[:, 1], boxes[:, 2], boxes[:, 3]
    area = (x2 - x1) * (y2 - y1)
    ix1 = jnp.maximum(x1[:, None], x1[None, :])
    iy1 = jnp.maximum(y1[:, None], y1[None, :])
    ix2 = jnp.minimum(x2[:, None], x2[None, :])
    iy2 = jnp.minimum(y2[:, None], y2[None, :])
    iw = jnp.maximum(ix2 - ix1, 0.0)
    ih = jnp.maximum(iy2 - iy1, 0.0)
    inter = iw * ih
    union = area[:, None] + area[None, :] - inter
    return inter / jnp.maximum(union, 1e-9)


def _nms_keep(boxes, scores, thresh):
    # Greedy NMS as in PointGroup's get_nms_instances: highest-score proposal
    # suppresses all lower-score proposals whose cross-IoU exceeds thresh.
    ious = _pairwise_iou(boxes)
    order = jnp.argsort(-scores)
    n = scores.shape[0]

    def body(i, keep):
        idx = order[i]
        active = keep[idx]
        suppress = (ious[idx] > thresh) & active
        suppress = suppress.at[idx].set(False)
        return keep & (~suppress)

    keep = jax.lax.fori_loop(0, n, body, jnp.ones((n,), dtype=bool))
    return keep


def reference(boxes, scores):
    keep = _nms_keep(jax.lax.stop_gradient(boxes), jax.lax.stop_gradient(scores), NMS_THRESH)
    kept_scores = scores * keep.astype(scores.dtype)
    return kept_scores

if __name__ == "__main__":
    import jax
    _d = setup_inputs()
    print(jax.jit(kernel)(*tuple(_d.values())))

</pallas_src>

<mosaic_0001>
#map = affine_map<(d0, d1) -> (0, 0)>
#map1 = affine_map<(d0, d1) -> (0)>
module attributes {stable_mosaic.version = 14 : i64} {
  func.func @k(%arg0: i32, %arg1: i32, %arg2: memref<5120x128xf32, #tpu.memory_space<hbm>>, %arg3: memref<5120xi32, #tpu.memory_space<hbm>>, %arg4: memref<5120x128xf32, #tpu.memory_space<hbm>>, %arg5: memref<160xi32, #tpu.memory_space<vmem>>, %arg6: memref<160x128xf32, #tpu.memory_space<vmem>>, %arg7: memref<!tpu.dma_semaphore, #tpu.memory_space<semaphore_mem>>) attributes {dimension_semantics = [#tpu.dimension_semantics<core_parallel>, #tpu.dimension_semantics<subcore_parallel>], iteration_bounds = array<i64: 2, 16>, scalar_prefetch = 0 : i64, scratch_operands = 3 : i64, tpu.core_type = #tpu.core_type<sc_vector_subcore>, window_params = [{transform_indices = #map}, {transform_indices = #map1}, {transform_indices = #map}]} {
    %mul3A = arith.constant 2 : i32
    %mul3A_0 = arith.muli %arg1, %mul3A : i32
    %add3A = arith.addi %mul3A_0, %arg0 : i32
    %mul3A_1 = arith.constant 160 : i32
    %mul3A_2 = arith.muli %add3A, %mul3A_1 : i32
    "tpu.region"() ({
      %run_scoped3A = tpu.sem_alloc : memref<!tpu.dma_semaphore, #tpu.memory_space<semaphore_mem>>
      %dma_start3A_7 = tpu.memref_slice %arg3[%mul3A_2] : memref<5120xi32, #tpu.memory_space<hbm>> -> memref<160xi32, #tpu.memory_space<hbm>>
      %dma_start3A_8 = tpu.memref_slice %arg3[%mul3A_2] : memref<5120xi32, #tpu.memory_space<hbm>> -> memref<160xi32, #tpu.memory_space<hbm>>
      tpu.enqueue_dma source(%dma_start3A_8 : memref<160xi32, #tpu.memory_space<hbm>>) target(%arg5 : memref<160xi32, #tpu.memory_space<vmem>>) target_semaphore(%run_scoped3A : memref<!tpu.dma_semaphore, #tpu.memory_space<semaphore_mem>>)
      %dma_wait3A_9 = tpu.memref_slice %arg3[%mul3A_2] : memref<5120xi32, #tpu.memory_space<hbm>> -> memref<160xi32, #tpu.memory_space<hbm>>
      %dma_wait3A_10 = tpu.memref_slice %arg3[%mul3A_2] : memref<5120xi32, #tpu.memory_space<hbm>> -> memref<160xi32, #tpu.memory_space<hbm>>
      tpu.wait_dma2 semaphore(%run_scoped3A : memref<!tpu.dma_semaphore, #tpu.memory_space<semaphore_mem>>) src(%dma_wait3A_10 : memref<160xi32, #tpu.memory_space<hbm>>) dst(%arg5 : memref<160xi32, #tpu.memory_space<vmem>>)
      tpu.yield
    }) : () -> ()
    %dma_start3A = arith.constant 0 : i32
    %dma_start3A_3 = arith.constant 0 : i32
    %dma_start3A_4 = tpu.memref_slice %arg2[%dma_start3A, %dma_start3A_3] : memref<5120x128xf32, #tpu.memory_space<hbm>> -> memref<5120x128xf32, #tpu.memory_space<hbm>>
    tpu.enqueue_indirect_dma source(%dma_start3A_4 : memref<5120x128xf32, #tpu.memory_space<hbm>>) target(%arg6 : memref<160x128xf32, #tpu.memory_space<vmem>>) offsets(%arg5 : memref<160xi32, #tpu.memory_space<vmem>>) semaphore(%arg7 : memref<!tpu.dma_semaphore, #tpu.memory_space<semaphore_mem>>)
    %dma_wait3A = arith.constant 0 : i32
    %dma_wait3A_5 = arith.constant 0 : i32
    %dma_wait3A_6 = tpu.memref_slice %arg2[%dma_wait3A, %dma_wait3A_5] : memref<5120x128xf32, #tpu.memory_space<hbm>> -> memref<5120x128xf32, #tpu.memory_space<hbm>>
    tpu.wait_indirect_dma semaphore(%arg7 : memref<!tpu.dma_semaphore, #tpu.memory_space<semaphore_mem>>) src(%dma_wait3A_6 : memref<5120x128xf32, #tpu.memory_space<hbm>>) dst(%arg6 : memref<160x128xf32, #tpu.memory_space<vmem>>)
    "tpu.region"() ({
      %run_scoped3A = tpu.sem_alloc : memref<!tpu.dma_semaphore, #tpu.memory_space<semaphore_mem>>
      %dma_start3A_7 = arith.constant 0 : i32
      %dma_start3A_8 = tpu.memref_slice %arg4[%mul3A_2, %dma_start3A_7] : memref<5120x128xf32, #tpu.memory_space<hbm>> -> memref<160x128xf32, #tpu.memory_space<hbm>>
      %dma_start3A_9 = arith.constant 0 : i32
      %dma_start3A_10 = tpu.memref_slice %arg4[%mul3A_2, %dma_start3A_9] : memref<5120x128xf32, #tpu.memory_space<hbm>> -> memref<160x128xf32, #tpu.memory_space<hbm>>
      tpu.enqueue_dma source(%arg6 : memref<160x128xf32, #tpu.memory_space<vmem>>) target(%dma_start3A_10 : memref<160x128xf32, #tpu.memory_space<hbm>>) target_semaphore(%run_scoped3A : memref<!tpu.dma_semaphore, #tpu.memory_space<semaphore_mem>>)
      %dma_wait3A_11 = arith.constant 0 : i32
      %dma_wait3A_12 = tpu.memref_slice %arg4[%mul3A_2, %dma_wait3A_11] : memref<5120x128xf32, #tpu.memory_space<hbm>> -> memref<160x128xf32, #tpu.memory_space<hbm>>
      %dma_wait3A_13 = arith.constant 0 : i32
      %dma_wait3A_14 = tpu.memref_slice %arg4[%mul3A_2, %dma_wait3A_13] : memref<5120x128xf32, #tpu.memory_space<hbm>> -> memref<160x128xf32, #tpu.memory_space<hbm>>
      tpu.wait_dma2 semaphore(%run_scoped3A : memref<!tpu.dma_semaphore, #tpu.memory_space<semaphore_mem>>) src(%arg6 : memref<160x128xf32, #tpu.memory_space<vmem>>) dst(%dma_wait3A_14 : memref<160x128xf32, #tpu.memory_space<hbm>>)
      tpu.yield
    }) : () -> ()
    return
  }
}

module attributes {stable_mosaic.version = 14 : i64} {
  func.func @_nms_body(%arg0: memref<5120x128xf32, #tpu.memory_space<vmem>>, %arg1: memref<8x5120xf32, #tpu.memory_space<vmem>>, %arg2: memref<1x5120xf32, #tpu.memory_space<vmem>>) attributes {dimension_semantics = [], scalar_prefetch = 0 : i64, scratch_operands = 0 : i64, tpu.core_type = #tpu.core_type<tc>} {
    %broadcast_in_dim3A = arith.constant 1.000000e+00 : f32
    %broadcast_in_dim3A_0 = vector.broadcast %broadcast_in_dim3A : f32 to vector<1x5120xf32>
    %swap3A = arith.constant 0 : index
    %swap3A_1 = arith.constant 0 : index
    %swap3A_2 = vector.load %arg2[%swap3A, %swap3A_1] : memref<1x5120xf32, #tpu.memory_space<vmem>>, vector<1x5120xf32>
    tpu.vector_store %arg2[%swap3A, %swap3A_1], %broadcast_in_dim3A_0 {strides = array<i32>} : memref<1x5120xf32, #tpu.memory_space<vmem>>, vector<1x5120xf32>,
    %iota3A = tpu.iota {dimensions = array<i32: 1>} : vector<1280x1280xi32>
    %iota3A_3 = tpu.iota {dimensions = array<i32: 0>} : vector<1280x1280xi32>
    %gt3A = arith.cmpi sgt, %iota3A, %iota3A_3 : vector<1280x1280xi32>
    %scan3A = arith.constant 0 : i32
    %scan3A_4 = arith.constant 4 : i32
    %scan3A_5 = arith.addi %scan3A, %scan3A_4 : i32
    %scan3A_6 = arith.constant 1 : i32
    scf.for %scan3A_8 = %scan3A to %scan3A_5 step %scan3A_6  : i32 {
      %mul3A = arith.constant 1280 : i32
      %mul3A_9 = arith.muli %scan3A_8, %mul3A : i32
      %get3A = arith.index_cast %mul3A_9 : i32 to index
      %get3A_10 = arith.constant 0 : index
      %get3A_11 = vector.load %arg0[%get3A, %get3A_10] : memref<5120x128xf32, #tpu.memory_space<vmem>>, vector<1280x1xf32>
      %get3A_12 = arith.index_cast %mul3A_9 : i32 to index
      %get3A_13 = arith.constant 1 : index
      %get3A_14 = vector.load %arg0[%get3A_12, %get3A_13] : memref<5120x128xf32, #tpu.memory_space<vmem>>, vector<1280x1xf32>
      %get3A_15 = arith.index_cast %mul3A_9 : i32 to index
      %get3A_16 = arith.constant 2 : index
      %get3A_17 = vector.load %arg0[%get3A_15, %get3A_16] : memref<5120x128xf32, #tpu.memory_space<vmem>>, vector<1280x1xf32>
      %get3A_18 = arith.index_cast %mul3A_9 : i32 to index
      %get3A_19 = arith.constant 3 : index
      %get3A_20 = vector.load %arg0[%get3A_18, %get3A_19] : memref<5120x128xf32, #tpu.memory_space<vmem>>, vector<1280x1xf32>
      %get3A_21 = arith.index_cast %mul3A_9 : i32 to index
      %get3A_22 = arith.constant 4 : index
      %get3A_23 = vector.load %arg0[%get3A_21, %get3A_22] : memref<5120x128xf32, #tpu.memory_space<vmem>>, vector<1280x1xf32>
      %get3A_24 = arith.constant 0 : index
      %get3A_25 = arith.index_cast %mul3A_9 : i32 to index
      %get3A_26 = vector.load %arg1[%get3A_24, %get3A_25] : memref<8x5120xf32, #tpu.memory_space<vmem>>, vector<1x1280xf32>
      %get3A_27 = arith.constant 1 : index
      %get3A_28 = arith.index_cast %mul3A_9 : i32 to index
      %get3A_29 = vector.load %arg1[%get3A_27, %get3A_28] : memref<8x5120xf32, #tpu.memory_space<vmem>>, vector<1x1280xf32>
      %get3A_30 = arith.constant 2 : index
      %get3A_31 = arith.index_cast %mul3A_9 : i32 to index
      %get3A_32 = vector.load %arg1[%get3A_30, %get3A_31] : memref<8x5120xf32, #tpu.memory_space<vmem>>, vector<1x1280xf32>
      %get3A_33 = arith.constant 3 : index
      %get3A_34 = arith.index_cast %mul3A_9 : i32 to index
      %get3A_35 = vector.load %arg1[%get3A_33, %get3A_34] : memref<8x5120xf32, #tpu.memory_space<vmem>>, vector<1x1280xf32>
      %get3A_36 = arith.constant 4 : index
      %get3A_37 = arith.index_cast %mul3A_9 : i32 to index
      %get3A_38 = vector.load %arg1[%get3A_36, %get3A_37] : memref<8x5120xf32, #tpu.memory_space<vmem>>, vector<1x1280xf32>
      %min3A = vector.broadcast %get3A_17 : vector<1280x1xf32> to vector<1280x1280xf32>
      %min3A_39 = vector.broadcast %get3A_32 : vector<1x1280xf32> to vector<1280x1280xf32>
      %min3A_40 = arith.minimumf %min3A, %min3A_39 : vector<1280x1280xf32>
      %max3A = vector.broadcast %get3A_11 : vector<1280x1xf32> to vector<1280x1280xf32>
      %max3A_41 = vector.broadcast %get3A_26 : vector<1x1280xf32> to vector<1280x1280xf32>
      %max3A_42 = arith.maximumf %max3A, %max3A_41 : vector<1280x1280xf32>
      %sub3A = arith.subf %min3A_40, %max3A_42 : vector<1280x1280xf32>
      %max3A_43 = arith.constant 0.000000e+00 : f32
      %max3A_44 = vector.broadcast %max3A_43 : f32 to vector<1280x1280xf32>
      %max3A_45 = arith.maximumf %sub3A, %max3A_44 : vector<1280x1280xf32>
      %min3A_46 = vector.broadcast %get3A_20 : vector<1280x1xf32> to vector<1280x1280xf32>
      %min3A_47 = vector.broadcast %get3A_35 : vector<1x1280xf32> to vector<1280x1280xf32>
      %min3A_48 = arith.minimumf %min3A_46, %min3A_47 : vector<1280x1280xf32>
      %max3A_49 = vector.broadcast %get3A_14 : vector<1280x1xf32> to vector<1280x1280xf32>
      %max3A_50 = vector.broadcast %get3A_29 : vector<1x1280xf32> to vector<1280x1280xf32>
      %max3A_51 = arith.maximumf %max3A_49, %max3A_50 : vector<1280x1280xf32>
      %sub3A_52 = arith.subf %min3A_48, %max3A_51 : vector<1280x1280xf32>
      %max3A_53 = arith.constant 0.000000e+00 : f32
      %max3A_54 = vector.broadcast %max3A_53 : f32 to vector<1280x1280xf32>
      %max3A_55 = arith.maximumf %sub3A_52, %max3A_54 : vector<1280x1280xf32>
      %mul3A_56 = arith.mulf %max3A_45, %max3A_55 : vector<1280x1280xf32>
      %add3A = vector.broadcast %get3A_23 : vector<1280x1xf32> to vector<1280x1280xf32>
      %add3A_57 = vector.broadcast %get3A_38 : vector<1x1280xf32> to vector<1280x1280xf32>
      %add3A_58 = arith.addf %add3A, %add3A_57 : vector<1280x1280xf32>
      %sub3A_59 = arith.subf %add3A_58, %mul3A_56 : vector<1280x1280xf32>
      %div3A = arith.divf %mul3A_56, %sub3A_59 : vector<1280x1280xf32>
      %gt3A_60 = arith.constant 3.000000e-01 : f32
      %gt3A_61 = vector.broadcast %gt3A_60 : f32 to vector<1280x1280xf32>
      %gt3A_62 = arith.cmpf ogt, %div3A, %gt3A_61 : vector<1280x1280xf32>
      %and3A = arith.andi %gt3A_62, %gt3A : vector<1280x1280xi1>
      %jit3A = arith.constant 1.000000e+00 : f32
      %jit3A_63 = arith.constant 0.000000e+00 : f32
      %broadcast_in_dim3A_64 = vector.broadcast %jit3A : f32 to vector<1280x1280xf32>
      %broadcast_in_dim3A_65 = vector.broadcast %jit3A_63 : f32 to vector<1280x1280xf32>
      %select_n3A = arith.select %and3A, %broadcast_in_dim3A_64, %broadcast_in_dim3A_65 : vector<1280x1280xi1>, vector<1280x1280xf32>
      %convert_element_type3A = arith.truncf %select_n3A : vector<1280x1280xf32> to vector<1280x1280xbf16>
      %get3A_66 = arith.constant 0 : index
      %get3A_67 = arith.index_cast %mul3A_9 : i32 to index
      %get3A_68 = vector.load %arg2[%get3A_66, %get3A_67] : memref<1x5120xf32, #tpu.memory_space<vmem>>, vector<1x1280xf32>
      %while3A = arith.constant 0 : i32
      %while3A_69 = arith.constant true
      %while3A_70:3 = scf.while (%while3A_87 = %while3A, %while3A_88 = %get3A_68, %while3A_89 = %while3A_69) : (i32, vector<1x1280xf32>, i1) -> (i32, vector<1x1280xf32>, i1) {
        %lt3A = arith.constant 1280 : i32
        %lt3A_90 = arith.cmpi slt, %while3A_87, %lt3A : i32
        %and3A_91 = arith.andi %while3A_89, %lt3A_90 : i1
        scf.condition(%and3A_91) %while3A_87, %while3A_88, %while3A_89 : i32, vector<1x1280xf32>, i1
      } do {
      ^bb0(%while3A_87: i32, %while3A_88: vector<1x1280xf32>, %while3A_89: i1):
        %convert_element_type3A_90 = arith.truncf %while3A_88 : vector<1x1280xf32> to vector<1x1280xbf16>
        %dot_general3A = arith.constant dense<0.000000e+00> : vector<1x1280xf32>
        %dot_general3A_91 = tpu.matmul %convert_element_type3A_90, %convert_element_type3A, %dot_general3A {dimension_numbers = #tpu.dot_dimension_numbers<[1], [0], [0], [1], [0, 0, 1, 1], [], []>, transpose_lhs_hint = false} : vector<1x1280xbf16>, vector<1280x1280xbf16>, vector<1x1280xf32> -> vector<1x1280xf32>
        %gt3A_92 = arith.constant 0.000000e+00 : f32
        %gt3A_93 = vector.broadcast %gt3A_92 : f32 to vector<1x1280xf32>
        %gt3A_94 = arith.cmpf ogt, %dot_general3A_91, %gt3A_93 : vector<1x1280xf32>
        %jit3A_95 = arith.constant 0.000000e+00 : f32
        %jit3A_96 = arith.constant 1.000000e+00 : f32
        %broadcast_in_dim3A_97 = vector.broadcast %jit3A_95 : f32 to vector<1x1280xf32>
        %broadcast_in_dim3A_98 = vector.broadcast %jit3A_96 : f32 to vector<1x1280xf32>
        %select_n3A_99 = arith.select %gt3A_94, %broadcast_in_dim3A_97, %broadcast_in_dim3A_98 : vector<1x1280xi1>, vector<1x1280xf32>
        %mul3A_100 = arith.mulf %get3A_68, %select_n3A_99 : vector<1x1280xf32>
        %add3A_101 = arith.constant 1 : i32
        %add3A_102 = arith.addi %while3A_87, %add3A_101 : i32
        %ne3A = arith.cmpf one, %mul3A_100, %while3A_88 : vector<1x1280xf32>
        %reduce_or3A = arith.constant 1.000000e+00 : f32
        %reduce_or3A_103 = arith.constant 0.000000e+00 : f32
        %reduce_or3A_104 = vector.broadcast %reduce_or3A : f32 to vector<1x1280xf32>
        %reduce_or3A_105 = vector.broadcast %reduce_or3A_103 : f32 to vector<1x1280xf32>
        %reduce_or3A_106 = arith.select %ne3A, %reduce_or3A_104, %reduce_or3A_105 : vector<1x1280xi1>, vector<1x1280xf32>
        %reduce_or3A_107 = vector.shape_cast %reduce_or3A_106 : vector<1x1280xf32> to vector<1x1x1280xf32>
        %reduce_or3A_108 = arith.constant dense<0xFF800000> : vector<1xf32>
        %reduce_or3A_109 = vector.multi_reduction <maximumf>, %reduce_or3A_107, %reduce_or3A_108 [1, 2] : vector<1x1x1280xf32> to vector<1xf32>
        %reduce_or3A_110 = vector.shape_cast %reduce_or3A_109 : vector<1xf32> to vector<1x1x1xf32>
        %reduce_or3A_111 = vector.extract %reduce_or3A_110[0, 0, 0] : f32 from vector<1x1x1xf32>
        %reduce_or3A_112 = arith.constant 0.000000e+00 : f32
        %reduce_or3A_113 = arith.cmpf ogt, %reduce_or3A_111, %reduce_or3A_112 : f32
        scf.yield %add3A_102, %mul3A_100, %reduce_or3A_113 : i32, vector<1x1280xf32>, i1
      }
      %swap3A_71 = arith.constant 0 : index
      %swap3A_72 = arith.index_cast %mul3A_9 : i32 to index
      %swap3A_73 = vector.load %arg2[%swap3A_71, %swap3A_72] : memref<1x5120xf32, #tpu.memory_space<vmem>>, vector<1x1280xf32>
      tpu.vector_store %arg2[%swap3A_71, %swap3A_72], %while3A_70#1 {strides = array<i32>} : memref<1x5120xf32, #tpu.memory_space<vmem>>, vector<1x1280xf32>,
      %convert_element_type3A_74 = arith.truncf %while3A_70#1 : vector<1x1280xf32> to vector<1x1280xbf16>
      %add3A_75 = arith.constant 1 : i32
      %add3A_76 = arith.addi %scan3A_8, %add3A_75 : i32
      %while3A_77 = arith.constant 0 : i32
      %while3A_78 = arith.constant 4 : i32
      %while3A_79 = arith.subi %while3A_78, %add3A_76 : i32
      %while3A_80 = arith.addi %add3A_76, %while3A_79 : i32
      %while3A_81 = arith.constant 1 : i32
      %while3A_82 = arith.divsi %while3A_79, %while3A_81 : i32
      %while3A_83 = arith.muli %while3A_82, %while3A_81 : i32
      %while3A_84 = arith.addi %add3A_76, %while3A_83 : i32
      %while3A_85 = arith.constant 1 : i32
      scf.for %while3A_87 = %add3A_76 to %while3A_84 step %while3A_85  : i32 {
        %mul3A_88 = arith.constant 1280 : i32
        %mul3A_89 = arith.muli %while3A_87, %mul3A_88 : i32
        %get3A_90 = arith.constant 0 : index
        %get3A_91 = arith.index_cast %mul3A_89 : i32 to index
        %get3A_92 = vector.load %arg1[%get3A_90, %get3A_91] : memref<8x5120xf32, #tpu.memory_space<vmem>>, vector<1x1280xf32>
        %get3A_93 = arith.constant 1 : index
        %get3A_94 = arith.index_cast %mul3A_89 : i32 to index
        %get3A_95 = vector.load %arg1[%get3A_93, %get3A_94] : memref<8x5120xf32, #tpu.memory_space<vmem>>, vector<1x1280xf32>
        %get3A_96 = arith.constant 2 : index
        %get3A_97 = arith.index_cast %mul3A_89 : i32 to index
        %get3A_98 = vector.load %arg1[%get3A_96, %get3A_97] : memref<8x5120xf32, #tpu.memory_space<vmem>>, vector<1x1280xf32>
        %get3A_99 = arith.constant 3 : index
        %get3A_100 = arith.index_cast %mul3A_89 : i32 to index
        %get3A_101 = vector.load %arg1[%get3A_99, %get3A_100] : memref<8x5120xf32, #tpu.memory_space<vmem>>, vector<1x1280xf32>
        %get3A_102 = arith.constant 4 : index
        %get3A_103 = arith.index_cast %mul3A_89 : i32 to index
        %get3A_104 = vector.load %arg1[%get3A_102, %get3A_103] : memref<8x5120xf32, #tpu.memory_space<vmem>>, vector<1x1280xf32>
        %min3A_105 = vector.broadcast %get3A_17 : vector<1280x1xf32> to vector<1280x1280xf32>
        %min3A_106 = vector.broadcast %get3A_98 : vector<1x1280xf32> to vector<1280x1280xf32>
        %min3A_107 = arith.minimumf %min3A_105, %min3A_106 : vector<1280x1280xf32>
        %max3A_108 = vector.broadcast %get3A_11 : vector<1280x1xf32> to vector<1280x1280xf32>
        %max3A_109 = vector.broadcast %get3A_92 : vector<1x1280xf32> to vector<1280x1280xf32>
        %max3A_110 = arith.maximumf %max3A_108, %max3A_109 : vector<1280x1280xf32>
        %sub3A_111 = arith.subf %min3A_107, %max3A_110 : vector<1280x1280xf32>
        %max3A_112 = arith.constant 0.000000e+00 : f32
        %max3A_113 = vector.broadcast %max3A_112 : f32 to vector<1280x1280xf32>
        %max3A_114 = arith.maximumf %sub3A_111, %max3A_113 : vector<1280x1280xf32>
        %min3A_115 = vector.broadcast %get3A_20 : vector<1280x1xf32> to vector<1280x1280xf32>
        %min3A_116 = vector.broadcast %get3A_101 : vector<1x1280xf32> to vector<1280x1280xf32>
        %min3A_117 = arith.minimumf %min3A_115, %min3A_116 : vector<1280x1280xf32>
        %max3A_118 = vector.broadcast %get3A_14 : vector<1280x1xf32> to vector<1280x1280xf32>
        %max3A_119 = vector.broadcast %get3A_95 : vector<1x1280xf32> to vector<1280x1280xf32>
        %max3A_120 = arith.maximumf %max3A_118, %max3A_119 : vector<1280x1280xf32>
        %sub3A_121 = arith.subf %min3A_117, %max3A_120 : vector<1280x1280xf32>
        %max3A_122 = arith.constant 0.000000e+00 : f32
        %max3A_123 = vector.broadcast %max3A_122 : f32 to vector<1280x1280xf32>
        %max3A_124 = arith.maximumf %sub3A_121, %max3A_123 : vector<1280x1280xf32>
        %mul3A_125 = arith.mulf %max3A_114, %max3A_124 : vector<1280x1280xf32>
        %add3A_126 = vector.broadcast %get3A_23 : vector<1280x1xf32> to vector<1280x1280xf32>
        %add3A_127 = vector.broadcast %get3A_104 : vector<1x1280xf32> to vector<1280x1280xf32>
        %add3A_128 = arith.addf %add3A_126, %add3A_127 : vector<1280x1280xf32>
        %sub3A_129 = arith.subf %add3A_128, %mul3A_125 : vector<1280x1280xf32>
        %div3A_130 = arith.divf %mul3A_125, %sub3A_129 : vector<1280x1280xf32>
        %gt3A_131 = arith.constant 3.000000e-01 : f32
        %gt3A_132 = vector.broadcast %gt3A_131 : f32 to vector<1280x1280xf32>
        %gt3A_133 = arith.cmpf ogt, %div3A_130, %gt3A_132 : vector<1280x1280xf32>
        %jit3A_134 = arith.constant 1.000000e+00 : f32
        %jit3A_135 = arith.constant 0.000000e+00 : f32
        %broadcast_in_dim3A_136 = vector.broadcast %jit3A_134 : f32 to vector<1280x1280xf32>
        %broadcast_in_dim3A_137 = vector.broadcast %jit3A_135 : f32 to vector<1280x1280xf32>
        %select_n3A_138 = arith.select %gt3A_133, %broadcast_in_dim3A_136, %broadcast_in_dim3A_137 : vector<1280x1280xi1>, vector<1280x1280xf32>
        %convert_element_type3A_139 = arith.truncf %select_n3A_138 : vector<1280x1280xf32> to vector<1280x1280xbf16>
        %dot_general3A = arith.constant dense<0.000000e+00> : vector<1x1280xf32>
        %dot_general3A_140 = tpu.matmul %convert_element_type3A_74, %convert_element_type3A_139, %dot_general3A {dimension_numbers = #tpu.dot_dimension_numbers<[1], [0], [0], [1], [0, 0, 1, 1], [], []>, transpose_lhs_hint = false} : vector<1x1280xbf16>, vector<1280x1280xbf16>, vector<1x1280xf32> -> vector<1x1280xf32>
        %get3A_141 = arith.constant 0 : index
        %get3A_142 = arith.index_cast %mul3A_89 : i32 to index
        %get3A_143 = vector.load %arg2[%get3A_141, %get3A_142] : memref<1x5120xf32, #tpu.memory_space<vmem>>, vector<1x1280xf32>
        %gt3A_144 = arith.constant 0.000000e+00 : f32
        %gt3A_145 = vector.broadcast %gt3A_144 : f32 to vector<1x1280xf32>
        %gt3A_146 = arith.cmpf ogt, %dot_general3A_140, %gt3A_145 : vector<1x1280xf32>
        %jit3A_147 = arith.constant 0.000000e+00 : f32
        %jit3A_148 = arith.constant 1.000000e+00 : f32
        %broadcast_in_dim3A_149 = vector.broadcast %jit3A_147 : f32 to vector<1x1280xf32>
        %broadcast_in_dim3A_150 = vector.broadcast %jit3A_148 : f32 to vector<1x1280xf32>
        %select_n3A_151 = arith.select %gt3A_146, %broadcast_in_dim3A_149, %broadcast_in_dim3A_150 : vector<1x1280xi1>, vector<1x1280xf32>
        %mul3A_152 = arith.mulf %get3A_143, %select_n3A_151 : vector<1x1280xf32>
        %swap3A_153 = arith.constant 0 : index
        %swap3A_154 = arith.index_cast %mul3A_89 : i32 to index
        %swap3A_155 = vector.load %arg2[%swap3A_153, %swap3A_154] : memref<1x5120xf32, #tpu.memory_space<vmem>>, vector<1x1280xf32>
        tpu.vector_store %arg2[%swap3A_153, %swap3A_154], %mul3A_152 {strides = array<i32>} : memref<1x5120xf32, #tpu.memory_space<vmem>>, vector<1x1280xf32>,
      }
      %while3A_86 = arith.constant 1 : i32
      scf.for %while3A_87 = %while3A_84 to %while3A_80 step %while3A_86  : i32 {
        %mul3A_88 = arith.constant 1280 : i32
        %mul3A_89 = arith.muli %while3A_87, %mul3A_88 : i32
        %get3A_90 = arith.constant 0 : index
        %get3A_91 = arith.index_cast %mul3A_89 : i32 to index
        %get3A_92 = vector.load %arg1[%get3A_90, %get3A_91] : memref<8x5120xf32, #tpu.memory_space<vmem>>, vector<1x1280xf32>
        %get3A_93 = arith.constant 1 : index
        %get3A_94 = arith.index_cast %mul3A_89 : i32 to index
        %get3A_95 = vector.load %arg1[%get3A_93, %get3A_94] : memref<8x5120xf32, #tpu.memory_space<vmem>>, vector<1x1280xf32>
        %get3A_96 = arith.constant 2 : index
        %get3A_97 = arith.index_cast %mul3A_89 : i32 to index
        %get3A_98 = vector.load %arg1[%get3A_96, %get3A_97] : memref<8x5120xf32, #tpu.memory_space<vmem>>, vector<1x1280xf32>
        %get3A_99 = arith.constant 3 : index
        %get3A_100 = arith.index_cast %mul3A_89 : i32 to index
        %get3A_101 = vector.load %arg1[%get3A_99, %get3A_100] : memref<8x5120xf32, #tpu.memory_space<vmem>>, vector<1x1280xf32>
        %get3A_102 = arith.constant 4 : index
        %get3A_103 = arith.index_cast %mul3A_89 : i32 to index
        %get3A_104 = vector.load %arg1[%get3A_102, %get3A_103] : memref<8x5120xf32, #tpu.memory_space<vmem>>, vector<1x1280xf32>
        %min3A_105 = vector.broadcast %get3A_17 : vector<1280x1xf32> to vector<1280x1280xf32>
        %min3A_106 = vector.broadcast %get3A_98 : vector<1x1280xf32> to vector<1280x1280xf32>
        %min3A_107 = arith.minimumf %min3A_105, %min3A_106 : vector<1280x1280xf32>
        %max3A_108 = vector.broadcast %get3A_11 : vector<1280x1xf32> to vector<1280x1280xf32>
        %max3A_109 = vector.broadcast %get3A_92 : vector<1x1280xf32> to vector<1280x1280xf32>
        %max3A_110 = arith.maximumf %max3A_108, %max3A_109 : vector<1280x1280xf32>
        %sub3A_111 = arith.subf %min3A_107, %max3A_110 : vector<1280x1280xf32>
        %max3A_112 = arith.constant 0.000000e+00 : f32
        %max3A_113 = vector.broadcast %max3A_112 : f32 to vector<1280x1280xf32>
        %max3A_114 = arith.maximumf %sub3A_111, %max3A_113 : vector<1280x1280xf32>
        %min3A_115 = vector.broadcast %get3A_20 : vector<1280x1xf32> to vector<1280x1280xf32>
        %min3A_116 = vector.broadcast %get3A_101 : vector<1x1280xf32> to vector<1280x1280xf32>
        %min3A_117 = arith.minimumf %min3A_115, %min3A_116 : vector<1280x1280xf32>
        %max3A_118 = vector.broadcast %get3A_14 : vector<1280x1xf32> to vector<1280x1280xf32>
        %max3A_119 = vector.broadcast %get3A_95 : vector<1x1280xf32> to vector<1280x1280xf32>
        %max3A_120 = arith.maximumf %max3A_118, %max3A_119 : vector<1280x1280xf32>
        %sub3A_121 = arith.subf %min3A_117, %max3A_120 : vector<1280x1280xf32>
        %max3A_122 = arith.constant 0.000000e+00 : f32
        %max3A_123 = vector.broadcast %max3A_122 : f32 to vector<1280x1280xf32>
        %max3A_124 = arith.maximumf %sub3A_121, %max3A_123 : vector<1280x1280xf32>
        %mul3A_125 = arith.mulf %max3A_114, %max3A_124 : vector<1280x1280xf32>
        %add3A_126 = vector.broadcast %get3A_23 : vector<1280x1xf32> to vector<1280x1280xf32>
        %add3A_127 = vector.broadcast %get3A_104 : vector<1x1280xf32> to vector<1280x1280xf32>
        %add3A_128 = arith.addf %add3A_126, %add3A_127 : vector<1280x1280xf32>
        %sub3A_129 = arith.subf %add3A_128, %mul3A_125 : vector<1280x1280xf32>
        %div3A_130 = arith.divf %mul3A_125, %sub3A_129 : vector<1280x1280xf32>
        %gt3A_131 = arith.constant 3.000000e-01 : f32
        %gt3A_132 = vector.broadcast %gt3A_131 : f32 to vector<1280x1280xf32>
        %gt3A_133 = arith.cmpf ogt, %div3A_130, %gt3A_132 : vector<1280x1280xf32>
        %jit3A_134 = arith.constant 1.000000e+00 : f32
        %jit3A_135 = arith.constant 0.000000e+00 : f32
        %broadcast_in_dim3A_136 = vector.broadcast %jit3A_134 : f32 to vector<1280x1280xf32>
        %broadcast_in_dim3A_137 = vector.broadcast %jit3A_135 : f32 to vector<1280x1280xf32>
        %select_n3A_138 = arith.select %gt3A_133, %broadcast_in_dim3A_136, %broadcast_in_dim3A_137 : vector<1280x1280xi1>, vector<1280x1280xf32>
        %convert_element_type3A_139 = arith.truncf %select_n3A_138 : vector<1280x1280xf32> to vector<1280x1280xbf16>
        %dot_general3A = arith.constant dense<0.000000e+00> : vector<1x1280xf32>
        %dot_general3A_140 = tpu.matmul %convert_element_type3A_74, %convert_element_type3A_139, %dot_general3A {dimension_numbers = #tpu.dot_dimension_numbers<[1], [0], [0], [1], [0, 0, 1, 1], [], []>, transpose_lhs_hint = false} : vector<1x1280xbf16>, vector<1280x1280xbf16>, vector<1x1280xf32> -> vector<1x1280xf32>
        %get3A_141 = arith.constant 0 : index
        %get3A_142 = arith.index_cast %mul3A_89 : i32 to index
        %get3A_143 = vector.load %arg2[%get3A_141, %get3A_142] : memref<1x5120xf32, #tpu.memory_space<vmem>>, vector<1x1280xf32>
        %gt3A_144 = arith.constant 0.000000e+00 : f32
        %gt3A_145 = vector.broadcast %gt3A_144 : f32 to vector<1x1280xf32>
        %gt3A_146 = arith.cmpf ogt, %dot_general3A_140, %gt3A_145 : vector<1x1280xf32>
        %jit3A_147 = arith.constant 0.000000e+00 : f32
        %jit3A_148 = arith.constant 1.000000e+00 : f32
        %broadcast_in_dim3A_149 = vector.broadcast %jit3A_147 : f32 to vector<1x1280xf32>
        %broadcast_in_dim3A_150 = vector.broadcast %jit3A_148 : f32 to vector<1x1280xf32>
        %select_n3A_151 = arith.select %gt3A_146, %broadcast_in_dim3A_149, %broadcast_in_dim3A_150 : vector<1x1280xi1>, vector<1x1280xf32>
        %mul3A_152 = arith.mulf %get3A_143, %select_n3A_151 : vector<1x1280xf32>
        %swap3A_153 = arith.constant 0 : index
        %swap3A_154 = arith.index_cast %mul3A_89 : i32 to index
        %swap3A_155 = vector.load %arg2[%swap3A_153, %swap3A_154] : memref<1x5120xf32, #tpu.memory_space<vmem>>, vector<1x1280xf32>
        tpu.vector_store %arg2[%swap3A_153, %swap3A_154], %mul3A_152 {strides = array<i32>} : memref<1x5120xf32, #tpu.memory_space<vmem>>, vector<1x1280xf32>,
      }
    }
    %scan3A_7 = arith.constant 4 : i32
    return
  }
}

</mosaic_0001>

<sc_bundles>
// kernel: kernel.4.cloned.1.call-start
scs
__scs_entry_jumppad:
0x0: {  	(pc) =	sbr.rel $0x88, $3  }
0x1: {  	(tag) =	ssettag $0x0;
	lr =	simm.s32 $0x1  }
0x2: {  	[smem:$0x3F9F] =	sst lr;
	_ =	strace $0xD0000000  }
0x3: {  	_ = 	snop  }
0x4: {  	_ = 	snop  }
0x5: {  	_ = 	snop  }
0x6: {  	_ = 	snop  }
0x7: {  	_ = 	snop  }
__scs_overlays_trampoline_lowered:
0x8: {  	[smem:$0x3FAE] =	sst s0  }
0x9: {  	[smem:$0x3FAF] =	sst s1  }
0xa: {  	[smem:$0x3FB0] =	sst s2  }
0xb: {  	[smem:$0x3FB1] =	sst s3  }
0xc: {  	[smem:$0x3FB2] =	sst s4  }
0xd: {  	[smem:$0x3FB3] =	sst s5  }
0xe: {  	[smem:$0x3FB4] =	sst s6  }
0xf: {  	[smem:$0x3FB5] =	sst s7  }
0x10: {  	[smem:$0x3FB6] =	sst s8  }
0x11: {  	[smem:$0x3FB7] =	sst s9;
	s0 =	simm.s32 @!p0 $0x0  }
0x12: {  	s1 =	sld [smem:$0x3F9D];
	s0 =	simm.s32 @p0 $0x1  }
0x13: {  	[smem:$0x3FB8] =	sst s0;
	s0 =	simm.s32 @!p1 $0x0  }
0x14: {  	s2 =	sld [smem:$0x3F9C];
	s0 =	simm.s32 @p1 $0x1  }
0x15: {  	[smem:$0x3FB9] =	sst s0;
	s0 =	simm.s32 @!p2 $0x0  }
0x16: {  	s3 =	sld [smem:$0x3FDB];
	s0 =	simm.s32 @p2 $0x1  }
0x17: {  	s4 =	simm.s32 $0x1BF5;
	[smem:$0x3FBB] =	sst s0  }
0x18: {  	s0 =	sld [smem:$0x3F9E];
	_ =	swait.ge [sflag:s4], $0x0  }
0x19: {  	s7 =	sld [smem:$0x3F9F]  }
0x1a: {  	s8 =	sadd.s32 $0xFFFFE003, lr  }
0x1b: {  	s9 =	sadd.s32 $0xFFFFFEF7, lr;
	s5 =	simm.s32 $0xFFFFFFFF;
	p2 =	slt.u32 s8, $0xFFFFF086  }
0x1c: {  	p1 =	slt.u32 s9, $0xF7A;
	s5 =	simm.s32 @!p2 $0x0  }
0x1d: {  	s5 =	simm.s32 @p1 $0x1;
	p0 =	seq.s32 s7, s2  }
0x1e: {  	s7 =	smul.u32 @!p0 $0xF7A, s2;
	p2 =	seq.s32 @!p0 s5, $0x0  }
0x1f: {  	s9 =	smul.u32 $0xF7A, s1;
	s8 =	simm.s32 @!p0 $0x1BF5;
	p2 =	por !p2, p0  }
0x20: {  	[sflag:s8] =	ssyncset.s32 @!p0 $0xFFFFF086;
	s6 =	sadd.s32 @!p0 s3, s7;
	s7 =	simm.s32 @!p0 $0x108  }
0x21: {  	s3 =	sadd.s32 s3, s9;
	s6 =	sadd.s32 @!p0 $0x88, s6;
	s7 =	simm.s32 @p2 $0x1082  }
0x22: {  	[simem:s7], [sflag:s8] =	dma.local @!p0 [hbm:s6], $0xF7A  }
0x23: {  	s9 =	sor.u32 $0xD0000000, s2;
	s6 =	simm.s32 $0x108;
	_ =	swait.ge @!p0 [sflag:s8], $0x0  }
0x24: {  	s3 =	sadd.s32 $0x88, s3;
	s6 =	simm.s32 @!p1 $0x1082;
	[sflag:s4] =	ssyncset.s32 $0xFFFFF086  }
0x25: {  	[simem:s6], [sflag:s4] =	dma.local [hbm:s3], $0xF7A  }
0x26: {  	[smem:$0x3F9F] =	sst s1;
	(tag) =	ssettag s2;
	_ =	strace s9  }
0x27: {  	s1 =	sld [smem:$0x3FAF]  }
0x28: {  	s2 =	sld [smem:$0x3FB0]  }
0x29: {  	s4 =	sld [smem:$0x3FB2]  }
0x2a: {  	p0 =	seq.s32 s5, $0x0;
	s5 =	sld [smem:$0x3FB3]  }
0x2b: {  	s6 =	sld [smem:$0x3FB4]  }
0x2c: {  	s7 =	sld [smem:$0x3FB5]  }
0x2d: {  	s3 =	simm.s32 $0x108;
	s8 =	sld [smem:$0x3FB6]  }
0x2e: {  	s3 =	simm.s32 @!p0 $0x1082;
	s9 =	sld [smem:$0x3FB7]  }
0x2f: {  	lr =	sadd.s32 s0, s3;
	s0 =	sld [smem:$0x3FAE]  }
0x30: {  	s3 =	sld [smem:$0x3FB1]  }
0x31: {  	[smem:$0x3FBA] =	sst s10  }
0x32: {  	s10 =	sld [smem:$0x3FB8];
	_ =	sdelay $0x3  }
0x33: {  	p0 =	seq.s32 s10, $0x1;
	s10 =	sld [smem:$0x3FBA];
	_ =	sdelay $0x3  }
0x34: {  	[smem:$0x3FBA] =	sst s10  }
0x35: {  	s10 =	sld [smem:$0x3FB9];
	_ =	sdelay $0x3  }
0x36: {  	p1 =	seq.s32 s10, $0x1;
	s10 =	sld [smem:$0x3FBA];
	_ =	sdelay $0x3  }
0x37: {  	[smem:$0x3FBA] =	sst s10  }
0x38: {  	s10 =	sld [smem:$0x3FBB]  }
0x39: {  	_ = 	snop;
	(pc) =	sbr.ind lr, $3  }
0x3a: {  	_ = 	snop  }
0x3b: {  	_ = 	snop  }
0x3c: {  	p2 =	seq.s32 s10, $0x1;
	s10 =	sld [smem:$0x3FBA]  }
0x3d: {  	_ =	shalt  }
0x3e: {  	_ =	shalt  }
0x3f: {  	_ =	shalt  }
0x40: {  	_ =	shalt  }
0x41: {  	_ =	shalt  }
0x42: {  	_ =	shalt  }
0x43: {  	_ =	shalt  }
0x44: {  	_ =	shalt  }
0x45: {  	_ =	shalt  }
0x46: {  	_ =	shalt  }
0x47: {  	_ =	shalt  }
0x48: {  	_ =	shalt  }
0x49: {  	_ =	shalt  }
0x4a: {  	_ =	shalt  }
0x4b: {  	_ =	shalt  }
0x4c: {  	_ =	shalt  }
0x4d: {  	_ =	shalt  }
0x4e: {  	_ =	shalt  }
0x4f: {  	_ =	shalt  }
0x50: {  	_ =	shalt  }
0x51: {  	_ =	shalt  }
0x52: {  	_ =	shalt  }
0x53: {  	_ =	shalt  }
0x54: {  	_ =	shalt  }
0x55: {  	_ =	shalt  }
0x56: {  	_ =	shalt  }
0x57: {  	_ =	shalt  }
0x58: {  	_ =	shalt  }
0x59: {  	_ =	shalt  }
0x5a: {  	_ =	shalt  }
0x5b: {  	_ =	shalt  }
0x5c: {  	_ =	shalt  }
0x5d: {  	_ =	shalt  }
0x5e: {  	_ =	shalt  }
0x5f: {  	_ =	shalt  }
0x60: {  	_ =	shalt  }
0x61: {  	_ =	shalt  }
0x62: {  	_ =	shalt  }
0x63: {  	_ =	shalt  }
0x64: {  	_ =	shalt  }
0x65: {  	_ =	shalt  }
0x66: {  	_ =	shalt  }
0x67: {  	_ =	shalt  }
0x68: {  	_ =	shalt  }
0x69: {  	_ =	shalt  }
0x6a: {  	_ =	shalt  }
0x6b: {  	_ =	shalt  }
0x6c: {  	_ =	shalt  }
0x6d: {  	_ =	shalt  }
0x6e: {  	_ =	shalt  }
0x6f: {  	_ =	shalt  }
0x70: {  	_ =	shalt  }
0x71: {  	_ =	shalt  }
0x72: {  	_ =	shalt  }
0x73: {  	_ =	shalt  }
0x74: {  	_ =	shalt  }
0x75: {  	_ =	shalt  }
0x76: {  	_ =	shalt  }
0x77: {  	_ =	shalt  }
0x78: {  	_ =	shalt  }
0x79: {  	_ =	shalt  }
0x7a: {  	_ =	shalt  }
0x7b: {  	_ =	shalt  }
0x7c: {  	_ =	shalt  }
0x7d: {  	_ =	shalt  }
0x7e: {  	_ =	shalt  }
0x7f: {  	_ =	shalt  }
0x80: {  	_ =	shalt  }
0x81: {  	_ =	shalt  }
0x82: {  	_ =	shalt  }
0x83: {  	_ =	shalt  }
0x84: {  	_ =	shalt  }
0x85: {  	_ =	shalt  }
0x86: {  	_ =	shalt  }
0x87: {  	_ =	shalt  }
.Lfunc_end0:
.L_simem_size_0:
called_computation_lowered:
.L_overlay_start_0:
0x88: {  	s2 =	sld [smem:$0x3FD9]  }
0x89: {  	s3 =	sld [smem:$0x3FFE];
	_ =	sdelay $0x1  }
0x8a: {  	s1 =	srdreg.scid  }
0x8b: {  	s0 =	sand.u32 $0x1, s1  }
0x8c: {  	s16 =	sshll.u32 s0, $0xA;
	s2 =	sadd.s32 s3, s2  }
0x8d: {  	s2 =	sadd.s32 s2, s16  }
0x8e: {  	[smem:$0x3FC6] =	sst s2  }
0x8f: {  	_ = 	snop  }
0x90: {  	(tm) =	ssettm $0x1  }
0x91: {  	s17 =	sld [smem:$0x3FFB];
	_ =	sdelay $0x3  }
0x92: {  	_ =	strace s17  }
0x93: {  	s2 =	sld [smem:$0x3FFC];
	_ =	sdelay $0x3  }
0x94: {  	_ =	strace s2  }
0x95: {  	s2 =	sld [smem:$0x3FFD];
	_ =	sdelay $0x3  }
0x96: {  	_ =	strace s2  }
0x97: {  	_ =	strace $0x8FFFFFFF  }
0x98: {  	s18 =	sld [smem:$0x3FDB];
	_ =	sdelay $0x1  }
0x99: {  	s19 =	simm.s32 $_scs_section_size  }
0x9a: {  	s4 =	simm.s32 $_size__tile_overlayer_lowered;
	s5 =	simm.s32 $_tile_overlayer_lowered  }
0x9b: {  	s22 =	simm.s32 $0x1BFF;
	s21 =	sshll.u32 s5, $0x1;
	s2 =	sadd.s32 s19, s18  }
0x9c: {  	s6 =	simm.s32 $0x0;
	s20 =	sshll.u32 s4, $0x1;
	s4 =	sadd.s32 s21, s2  }
0x9d: {  	[timem:s6], [sflag:s22] =	dma.local [hbm:s4], s20  }
0x9e: {  	_ =	swait.ge [sflag:s22], s20  }
0x9f: {  	s3 =	ssub.s32 $0x0, s20;
	[sflag:s22] =	ssyncset.done $0x0  }
0xa0: {  	[sflag:s22] =	ssyncadd.s32 s3;
	_ =	sdelay $0x1  }
0xa1: {  	s23 =	simm.s32 $0x1B8B  }
0xa2: {  	_ =	swait.ge [sflag:s23], $0x1  }
0xa3: {  	[sflag:s23] =	ssyncset.done $0x0  }
0xa4: {  	s25 =	simm.s32 $0x1B8E;
	s24 =	sld [smem:$0x3FFE];
	[sflag:s23] =	ssyncadd.s32 $0xFFFFFFFF  }
0xa5: {  	s26 =	simm.s32 $execute0_lowered;
	[smem:$0x3FD2] =	sst s25  }
0xa6: {  	s4 =	sshll.u32 s26, $0x1;
	_ =	strace $0x80000046;
	[dreg:$0x1] =	wrdreg $0xFFFFFFFF  }
0xa7: {  	s28 =	simm.s32 $_size_execute0_lowered;
	s2 =	sadd.s32 s2, s4;
	[dreg:$0x0] =	wrdreg $0x0  }
0xa8: {  	s4 =	sshll.u32 s28, $0x1;
	[dreg:$0x2] =	wrdreg s2  }
0xa9: {  	[dreg:$0x3] =	wrdreg s4  }
0xaa: {  	[dreg:$0x4] =	wrdreg $0xC0  }
0xab: {  	_ =	task [dreg:s6], $0x5FFFF  }
0xac: {  	[dreg:$0x1] =	wrdreg $0xFFFFFFFF  }
0xad: {  	[dreg:$0x0] =	wrdreg $0x60  }
0xae: {  	[dreg:$0x2] =	wrdreg s24  }
0xaf: {  	[dreg:$0x3] =	wrdreg $0x9  }
0xb0: {  	_ =	task.clear_ibuf [dreg:s6], $0x4FFFF;
	_ =	strace $0x90000046  }
0xb1: {  	s29 =	simm.s32 $0x9;
	_ =	strace $0x80000048  }
0xb2: {  	_ =	swait.ge [sflag:s29], $0x1  }
0xb3: {  	[sflag:s29] =	ssyncadd.s32 $0xFFFFFFFF  }
0xb4: {  	_ =	strace $0x90000048  }
0xb5: {  	_ =	sfence  }
0xb6: {  	s30 =	sld [smem:$0x0];
	_ =	sdelay $0x2  }
0xb7: {  	s31 =	sshll.u32 s1, $0xD;
	s1 =	sshrl.u32 s1, $0x2  }
0xb8: {  	s3 =	sand.u32 $0x4000, s31;
	s1 =	sadd.s32 s1, s30  }
0xb9: {  	s0 =	sor.u32 s3, s0;
	s1 =	sshll.u32 s1, $0x11  }
0xba: {  	s0 =	sor.u32 s1, s0  }
0xbb: {  	s0 =	sadd.s32 $0x8F2B, s0  }
0xbc: {  	[sflag:s0] =	ssyncadd.remote.s32 $0x1  }
0xbd: {  	_ =	sfence.sel $0xFFFF  }
0xbe: {  	[dreg:$0x0] =	wrdreg $0xFFFFFFFF;
	(pc) =	sbr.abs _section_cstart, $3  }
0xbf: {  	[dreg:$0x1] =	wrdreg $0xFFFFFFFF  }
0xc0: {  	_ =	task.clear_ibuf [dreg:s6], $0x2FFFF;
	_ =	strace $0x9FFFFFFF  }
0xc1: {  	(tm) =	ssettm $0x7FFFFFFF  }
tec
execute0_lowered:
.L_overlay_start_1:
0x0: {  	(tag) =	ssettag $0x1  }
0x1: {  	s1 =	srdreg.scid;
	s0 =	stileid.u32  }
0x2: {  	s9 =	rddreg [dreg:$0x0];
	s6 =	sand.u32 $0x1, s1;
	s30 =	sshll.u32 s0, $0x1  }
0x3: {  	s2 =	simm.s32 $0x0;
	s1 =	rddreg [dreg:$0x1];
	s7 =	sor.u32 s6, s30  }
0x4: {  	s8 =	simm.s32 $0x1;
	[smem:$0x7FF] =	sst s2;
	s3 =	smul.u32 $0x14, s7  }
0x5: {  	s5 =	sadd.s32 $0x400, s9;
	_ =	strace $0x80000047;
	s11 =	ssub.s32 $0x2, s6  }
0x6: {  	s6 =	simm.s32 $0xA0;
	s4 =	sadd.s32 s9, s3;
	s3 =	simm.s32 $0x2  }
0x7: {  	[tilespmem:s2], [sflag:$0x2] =	stream.linear.gather [hbm4b:s4+s2], $0xA0, $0x38;
	[tilespmem:$0x5100] =	vst v63  }
0x8: {  	s10 =	smul.u32 $0xA00, s7;
	s12 =	sshrl.u32 s11, $0x1;
	_ =	swait.ge [sflag:s3], $0xA0  }
0x9: {  	s7 =	simm.s32 $0x100;
	s31 =	ssub.s32 s11, s12;
	[sflag:s3] =	ssyncset.done $0x0  }
0xa: {  	s9 =	sadd.s32 s10, s9;
	s10 =	smax.u32 s31, $0x1;
	[sflag:s3] =	ssyncadd.s32 $0xFFFFFF60  }
0xb: {  	[tilespmem:s7], [sflag:$0x1] =	stream.indirect.gather [hbm4b:s5+s6], $0x80, s2, s6, $0xb8;
	[tilespmem:$0x5100] =	vst v63  }
0xc: {  	p0 =	sne.s32 s10, $0x1;
	_ =	swait.ge [sflag:s8], $0x5000  }
.Ltmp0:
0xd: {  	[sflag:s8] =	ssyncset.done $0x0;
	(pc) =	sbr.rel @!p0 .LBB2_2-.Ltmp0, $4  }
0xe: {  	s9 =	sadd.s32 $0x14400, s9;
	[sflag:s8] =	ssyncadd.s32 $0xFFFFB000  }
0xf: {  	[hbm4b:s9+s2] =	stream.linear.scatter [tilespmem:s7], [sflag:$0x2], $0x5000, $0x38;
	[tilespmem:$0x5100] =	vst v63  }
0x10: {  	_ =	swait.ge [sflag:s3], $0x5000  }
0x11: {  	s10 =	sadd.s32 $0xFFFFFFFF, s10;
	[sflag:s3] =	ssyncset.done $0x0  }
.LBB2_1:
0x12: {  	p0 =	sne.s32 s10, $0x1;
	s10 =	sadd.s32 $0xFFFFFFFF, s10;
	[sflag:s3] =	ssyncadd.s32 $0xFFFFB000  }
0x13: {  	[tilespmem:s2], [sflag:$0x2] =	stream.linear.gather [hbm4b:s4+s2], $0xA0, $0x38;
	[tilespmem:$0x5100] =	vst v63  }
0x14: {  	_ =	swait.ge [sflag:s3], $0xA0  }
0x15: {  	[sflag:s3] =	ssyncset.done $0x0  }
0x16: {  	[sflag:s3] =	ssyncadd.s32 $0xFFFFFF60  }
0x17: {  	[tilespmem:s7], [sflag:$0x1] =	stream.indirect.gather [hbm4b:s5+s6], $0x80, s2, s6, $0xb8;
	[tilespmem:$0x5100] =	vst v63  }
0x18: {  	_ =	swait.ge [sflag:s8], $0x5000  }
.Ltmp1:
0x19: {  	[sflag:s8] =	ssyncset.done $0x0;
	(pc) =	sbr.rel @p0 .LBB2_1-.Ltmp1, $4  }
0x1a: {  	[sflag:s8] =	ssyncadd.s32 $0xFFFFB000  }
0x1b: {  	[hbm4b:s9+s2] =	stream.linear.scatter [tilespmem:s7], [sflag:$0x2], $0x5000, $0x38;
	[tilespmem:$0x5100] =	vst v63  }
0x1c: {  	_ =	swait.ge [sflag:s3], $0x5000  }
0x1d: {  	[sflag:s3] =	ssyncset.done $0x0  }
.LBB2_2:
0x1e: {  	[sflag:s3] =	ssyncadd.s32 $0xFFFFB000  }
0x1f: {  	_ =	sfence.sel $0x180000  }
0x20: {  	[bflag:$0x0] =	sbarrier.arrive $0xFFFF  }
0x21: {  	p0 =	sne.s32 s0, $0x0;
	_ =	strace $0x90000047  }
0x22: {  	s0 =	sadd.s32 @!p0 $0x100000, s1;
	[bflag:$0x2] =	sbarrier.arrive $0xFFFF  }
0x23: {  	[sflag:s0] =	ssyncadd.tile.s32 @!p0 $0x1;
	_ =	shalt  }
.Lfunc_end2:
_tile_overlayer_lowered:
.L_overlay_start_2:
0x24: {  	(tag) =	ssettag $0x2  }
0x25: {  	s0 =	rddreg [dreg:$0x0];
	s2 =	stileid.u32  }
0x26: {  	s1 =	rddreg [dreg:$0x1];
	p0 =	sne.s32 s2, $0x0  }
0x27: {  	s3 =	rddreg [dreg:$0x2];
	[bflag:$0x3] =	sbarrier.arrive $0xFFFF;
	s2 =	simm.s32 @!p0 $0x1C02  }
0x28: {  	[timem:s3], [sflag:s2] =	dma.local @!p0 [hbm:s0], s1  }
0x29: {  	s0 =	simm.s32 @!p0 $0x2  }
0x2a: {  	_ =	swait.ge @!p0 [sflag:s0], s1  }
0x2b: {  	s1 =	ssub.s32 @!p0 $0x0, s1;
	[sflag:s0] =	ssyncset.done @!p0 $0x0  }
0x2c: {  	[sflag:s0] =	ssyncadd.s32 @!p0 s1  }
0x2d: {  	[bflag:$0x3] =	sbarrier.arrive $0xFFFF  }
0x2e: {  	_ =	shalt  }

</sc_bundles>
